<compile_context>
chip_gen: v7x
topology: tpu7x:2x2x1
jax: 0.10.2.dev20260603
libtpu: 0.0.44.dev20260713+nightly
codegen_flags: <defaults>
</compile_context>

<pallas_src>
import functools

import jax
import jax.numpy as jnp
from jax import lax
from jax.experimental import pallas as pl
from jax.experimental.pallas import tpu as pltpu
from jax.experimental.pallas import tpu_sc as plsc

_B, _N, _DIM = 16, 1024, 16
_TOKENS = _B * _N
_VOCAB = 8192
_D = 2 * _DIM

_M_TILE = 512
_M_STEPS = _TOKENS // _M_TILE

_SC_CORES = 2
_SC_SUBCORES = 16
_SC_LANES = 16
_SC_WORKERS = _SC_CORES * _SC_SUBCORES
_TOK_PER_WORKER = _TOKENS // _SC_WORKERS


def _bf16_split(x, n):
    parts = []
    rem = x
    for _ in range(n):
        h = rem.astype(jnp.bfloat16)
        parts.append(h)
        rem = rem - h.astype(jnp.float32)
    return parts


def _argmin_body(zr_ref, zi_ref, cb_ref, w_ref, b_ref,
                 idx_ref, salcode_ref, loss_ref, caug_ref):
    m = pl.program_id(0)

    @pl.when(m == 0)
    def _():
        c = cb_ref[...]
        cn = jnp.sum(c * c, axis=1, keepdims=True)
        cn_p = _bf16_split(cn, 3)
        caug_ref[...] = jnp.concatenate(
            [c.astype(jnp.bfloat16)] + cn_p, axis=1)
        salcode_ref[...] = lax.dot_general(
            w_ref[...], c, (((1,), (1,)), ((), ())),
            preferred_element_type=jnp.float32) + b_ref[0, 0]

    z2 = jnp.concatenate([zr_ref[...], zi_ref[...]], axis=1)
    ones = jnp.ones((_M_TILE, 1), dtype=jnp.bfloat16)
    z_aug = jnp.concatenate(
        [(-2.0 * z2).astype(jnp.bfloat16), ones, ones, ones], axis=1)
    d = lax.dot_general(z_aug, caug_ref[...], (((1,), (1,)), ((), ())),
                        preferred_element_type=jnp.float32)
    idx_ref[...] = jnp.argmin(d, axis=1).astype(jnp.int32)

    step_sum = (jnp.sum(jnp.min(d, axis=1), keepdims=True).reshape(1, 1)
                + jnp.sum(z2 * z2, keepdims=True).reshape(1, 1))

    @pl.when(m == 0)
    def _():
        loss_ref[...] = step_sum

    @pl.when(m > 0)
    def _():
        loss_ref[...] = loss_ref[...] + step_sum

    @pl.when(m == _M_STEPS - 1)
    def _():
        loss_ref[...] = loss_ref[...] * (1.25 / (_TOKENS * _D))


_argmin_call = pl.pallas_call(
    _argmin_body,
    grid=(_M_STEPS,),
    in_specs=[
        pl.BlockSpec((_M_TILE, _DIM), lambda m: (m, 0)),
        pl.BlockSpec((_M_TILE, _DIM), lambda m: (m, 0)),
        pl.BlockSpec((_VOCAB, _D), lambda m: (0, 0)),
        pl.BlockSpec((1, _D), lambda m: (0, 0)),
        pl.BlockSpec((1, 1), lambda m: (0, 0)),
    ],
    out_specs=(
        pl.BlockSpec((_M_TILE,), lambda m: (m,)),
        pl.BlockSpec((1, _VOCAB), lambda m: (0, 0)),
        pl.BlockSpec((1, 1), lambda m: (0, 0)),
    ),
    out_shape=(
        jax.ShapeDtypeStruct((_TOKENS,), jnp.int32),
        jax.ShapeDtypeStruct((1, _VOCAB), jnp.float32),
        jax.ShapeDtypeStruct((1, 1), jnp.float32),
    ),
    scratch_shapes=[
        pltpu.VMEM((_VOCAB, _D + 3), jnp.bfloat16),
    ],
)


@functools.cache
def _sc_gather_call():
    @functools.partial(
        pl.kernel,
        out_type=(
            jax.ShapeDtypeStruct((_TOKENS, _D), jnp.float32),
            jax.ShapeDtypeStruct((_TOKENS,), jnp.float32),
        ),
        mesh=plsc.VectorSubcoreMesh(core_axis_name="c", subcore_axis_name="s"),
        scratch_types=[
            pltpu.VMEM((_TOK_PER_WORKER,), jnp.int32),
            pltpu.VMEM((_TOK_PER_WORKER, _D), jnp.float32),
            pltpu.VMEM((_VOCAB,), jnp.float32),
            pltpu.VMEM((_TOK_PER_WORKER,), jnp.float32),
            pltpu.SemaphoreType.DMA,
        ],
        compiler_params=pltpu.CompilerParams(use_tc_tiling_on_sc=False,
                                             needs_layout_passes=False),
    )
    def _sc_gather(table_hbm, idx_hbm, salcode_hbm, rows_hbm, sal_hbm,
                   idx_v, rows_v, salcode_v, sal_v, sem):
        wid = lax.axis_index("s") * _SC_CORES + lax.axis_index("c")
        base = wid * _TOK_PER_WORKER
        pltpu.sync_copy(idx_hbm.at[pl.ds(base, _TOK_PER_WORKER)], idx_v)
        pltpu.async_copy(table_hbm.at[idx_v], rows_v, sem).wait()
        pltpu.sync_copy(rows_v, rows_hbm.at[pl.ds(base, _TOK_PER_WORKER)])
        pltpu.sync_copy(salcode_hbm, salcode_v)

        def body(i, carry):
            sl = pl.ds(i * _SC_LANES, _SC_LANES)
            sal_v[sl] = plsc.load_gather(salcode_v, [idx_v[sl]])
            return carry

        lax.fori_loop(0, _TOK_PER_WORKER // _SC_LANES, body, 0)
        pltpu.sync_copy(sal_v, sal_hbm.at[pl.ds(base, _TOK_PER_WORKER)])

    return _sc_gather


def kernel(gw_real, gw_imag, codebook, sal_w, sal_b):
    zr = gw_real.reshape(_TOKENS, _DIM)
    zi = gw_imag.reshape(_TOKENS, _DIM)
    idx, salcode, loss = _argmin_call(zr, zi, codebook, sal_w,
                                      sal_b.reshape(1, 1))
    z_q, sal = _sc_gather_call()(codebook, idx, salcode.reshape(_VOCAB))
    proposal = lax.complex(z_q[:, :_DIM], z_q[:, _DIM:]).reshape(_B, _N, _DIM)
    salience = sal.reshape(_B, _N, 1)
    return proposal, salience, loss.reshape(())

# --- scband reference (transcript-rebuilt; emitter-appended) ---
"""Pipeline reference for scband-semantic-module-23536420782602 (READ-ONLY COPY).

The authoritative reference and input builder live on the scoring server;
editing this copy changes nothing except your own understanding.
"""

import jax, jax.numpy as jnp
import numpy as np


def setup_inputs(seed: int = 0) -> dict:
    key = jax.random.key(seed)
    k1, k2, k3, k4 = jax.random.split(key, 4)
    dim = 16
    vocab = 8192
    B, N = 16, 1024
    return {
        "gw_real": jax.random.normal(k1, (B, N, dim), dtype=jnp.float32),
        "gw_imag": jax.random.normal(k2, (B, N, dim), dtype=jnp.float32),
        "codebook": jax.random.normal(k3, (vocab, 2 * dim), dtype=jnp.float32),
        "sal_w": jax.random.normal(k4, (1, 2 * dim), dtype=jnp.float32) / jnp.sqrt(2.0 * dim),
        "sal_b": jnp.zeros((1,), dtype=jnp.float32),
    }


def reference(gw_real, gw_imag, codebook, sal_w, sal_b):
    # z_flat = cat([gw_state.real, gw_state.imag], dim=-1)
    z_flat = jnp.concatenate([gw_real, gw_imag], axis=-1)
    # squared L2 distance to every codebook entry
    d = (jnp.sum(z_flat ** 2, axis=-1, keepdims=True)
         + jnp.sum(codebook ** 2, axis=-1)
         - 2.0 * jnp.matmul(z_flat, codebook.T))
    min_indices = jnp.argmin(d, axis=-1)
    z_q = jnp.take(codebook, min_indices, axis=0)
    # straight-through estimator
    z_q_ste = z_flat + jax.lax.stop_gradient(z_q - z_flat)
    half = z_flat.shape[-1] // 2
    proposal = jax.lax.complex(z_q_ste[..., :half], z_q_ste[..., half:])
    salience = jnp.matmul(z_q_ste, sal_w.T) + sal_b
    vq_loss = (jnp.mean((jax.lax.stop_gradient(z_q_ste) - z_flat) ** 2)
               + 0.25 * jnp.mean((z_q_ste - jax.lax.stop_gradient(z_flat)) ** 2))
    return (proposal, salience, vq_loss)

if __name__ == "__main__":
    import jax
    _d = setup_inputs()
    print(jax.jit(kernel)(*tuple(_d.values())))

</pallas_src>

<mosaic_0001>
#map = affine_map<(d0, d1) -> (0, 0)>
#map1 = affine_map<(d0, d1) -> (0)>
module attributes {stable_mosaic.version = 14 : i64} {
  func.func @_sc_gather(%arg0: i32, %arg1: i32, %arg2: memref<8192x32xf32, #tpu.memory_space<hbm>>, %arg3: memref<16384xi32, #tpu.memory_space<hbm>>, %arg4: memref<8192xf32, #tpu.memory_space<hbm>>, %arg5: memref<16384x32xf32, #tpu.memory_space<hbm>>, %arg6: memref<16384xf32, #tpu.memory_space<hbm>>, %arg7: memref<512xi32, #tpu.memory_space<vmem>>, %arg8: memref<512x32xf32, #tpu.memory_space<vmem>>, %arg9: memref<8192xf32, #tpu.memory_space<vmem>>, %arg10: memref<512xf32, #tpu.memory_space<vmem>>, %arg11: memref<!tpu.dma_semaphore, #tpu.memory_space<semaphore_mem>>) attributes {dimension_semantics = [#tpu.dimension_semantics<core_parallel>, #tpu.dimension_semantics<subcore_parallel>], iteration_bounds = array<i64: 2, 16>, scalar_prefetch = 0 : i64, scratch_operands = 5 : i64, tpu.core_type = #tpu.core_type<sc_vector_subcore>, window_params = [{transform_indices = #map}, {transform_indices = #map1}, {transform_indices = #map1}, {transform_indices = #map}, {transform_indices = #map1}]} {
    %mul3A = arith.constant 2 : i32
    %mul3A_0 = arith.muli %arg1, %mul3A : i32
    %add3A = arith.addi %mul3A_0, %arg0 : i32
    %mul3A_1 = arith.constant 512 : i32
    %mul3A_2 = arith.muli %add3A, %mul3A_1 : i32
    "tpu.region"() ({
      %run_scoped3A = tpu.sem_alloc : memref<!tpu.dma_semaphore, #tpu.memory_space<semaphore_mem>>
      %dma_start3A_12 = tpu.memref_slice %arg3[%mul3A_2] : memref<16384xi32, #tpu.memory_space<hbm>> -> memref<512xi32, #tpu.memory_space<hbm>>
      %dma_start3A_13 = tpu.memref_slice %arg3[%mul3A_2] : memref<16384xi32, #tpu.memory_space<hbm>> -> memref<512xi32, #tpu.memory_space<hbm>>
      tpu.enqueue_dma source(%dma_start3A_13 : memref<512xi32, #tpu.memory_space<hbm>>) target(%arg7 : memref<512xi32, #tpu.memory_space<vmem>>) target_semaphore(%run_scoped3A : memref<!tpu.dma_semaphore, #tpu.memory_space<semaphore_mem>>)
      %dma_wait3A_14 = tpu.memref_slice %arg3[%mul3A_2] : memref<16384xi32, #tpu.memory_space<hbm>> -> memref<512xi32, #tpu.memory_space<hbm>>
      %dma_wait3A_15 = tpu.memref_slice %arg3[%mul3A_2] : memref<16384xi32, #tpu.memory_space<hbm>> -> memref<512xi32, #tpu.memory_space<hbm>>
      tpu.wait_dma2 semaphore(%run_scoped3A : memref<!tpu.dma_semaphore, #tpu.memory_space<semaphore_mem>>) src(%dma_wait3A_15 : memref<512xi32, #tpu.memory_space<hbm>>) dst(%arg7 : memref<512xi32, #tpu.memory_space<vmem>>)
      tpu.yield
    }) : () -> ()
    %dma_start3A = arith.constant 0 : i32
    %dma_start3A_3 = arith.constant 0 : i32
    %dma_start3A_4 = tpu.memref_slice %arg2[%dma_start3A, %dma_start3A_3] : memref<8192x32xf32, #tpu.memory_space<hbm>> -> memref<8192x32xf32, #tpu.memory_space<hbm>>
    tpu.enqueue_indirect_dma source(%dma_start3A_4 : memref<8192x32xf32, #tpu.memory_space<hbm>>) target(%arg8 : memref<512x32xf32, #tpu.memory_space<vmem>>) offsets(%arg7 : memref<512xi32, #tpu.memory_space<vmem>>) semaphore(%arg11 : memref<!tpu.dma_semaphore, #tpu.memory_space<semaphore_mem>>)
    %dma_wait3A = arith.constant 0 : i32
    %dma_wait3A_5 = arith.constant 0 : i32
    %dma_wait3A_6 = tpu.memref_slice %arg2[%dma_wait3A, %dma_wait3A_5] : memref<8192x32xf32, #tpu.memory_space<hbm>> -> memref<8192x32xf32, #tpu.memory_space<hbm>>
    tpu.wait_indirect_dma semaphore(%arg11 : memref<!tpu.dma_semaphore, #tpu.memory_space<semaphore_mem>>) src(%dma_wait3A_6 : memref<8192x32xf32, #tpu.memory_space<hbm>>) dst(%arg8 : memref<512x32xf32, #tpu.memory_space<vmem>>)
    "tpu.region"() ({
      %run_scoped3A = tpu.sem_alloc : memref<!tpu.dma_semaphore, #tpu.memory_space<semaphore_mem>>
      %dma_start3A_12 = arith.constant 0 : i32
      %dma_start3A_13 = tpu.memref_slice %arg5[%mul3A_2, %dma_start3A_12] : memref<16384x32xf32, #tpu.memory_space<hbm>> -> memref<512x32xf32, #tpu.memory_space<hbm>>
      %dma_start3A_14 = arith.constant 0 : i32
      %dma_start3A_15 = tpu.memref_slice %arg5[%mul3A_2, %dma_start3A_14] : memref<16384x32xf32, #tpu.memory_space<hbm>> -> memref<512x32xf32, #tpu.memory_space<hbm>>
      tpu.enqueue_dma source(%arg8 : memref<512x32xf32, #tpu.memory_space<vmem>>) target(%dma_start3A_15 : memref<512x32xf32, #tpu.memory_space<hbm>>) target_semaphore(%run_scoped3A : memref<!tpu.dma_semaphore, #tpu.memory_space<semaphore_mem>>)
      %dma_wait3A_16 = arith.constant 0 : i32
      %dma_wait3A_17 = tpu.memref_slice %arg5[%mul3A_2, %dma_wait3A_16] : memref<16384x32xf32, #tpu.memory_space<hbm>> -> memref<512x32xf32, #tpu.memory_space<hbm>>
      %dma_wait3A_18 = arith.constant 0 : i32
      %dma_wait3A_19 = tpu.memref_slice %arg5[%mul3A_2, %dma_wait3A_18] : memref<16384x32xf32, #tpu.memory_space<hbm>> -> memref<512x32xf32, #tpu.memory_space<hbm>>
      tpu.wait_dma2 semaphore(%run_scoped3A : memref<!tpu.dma_semaphore, #tpu.memory_space<semaphore_mem>>) src(%arg8 : memref<512x32xf32, #tpu.memory_space<vmem>>) dst(%dma_wait3A_19 : memref<512x32xf32, #tpu.memory_space<hbm>>)
      tpu.yield
    }) : () -> ()
    "tpu.region"() ({
      %run_scoped3A = tpu.sem_alloc : memref<!tpu.dma_semaphore, #tpu.memory_space<semaphore_mem>>
      tpu.enqueue_dma source(%arg4 : memref<8192xf32, #tpu.memory_space<hbm>>) target(%arg9 : memref<8192xf32, #tpu.memory_space<vmem>>) target_semaphore(%run_scoped3A : memref<!tpu.dma_semaphore, #tpu.memory_space<semaphore_mem>>)
      tpu.wait_dma2 semaphore(%run_scoped3A : memref<!tpu.dma_semaphore, #tpu.memory_space<semaphore_mem>>) src(%arg4 : memref<8192xf32, #tpu.memory_space<hbm>>) dst(%arg9 : memref<8192xf32, #tpu.memory_space<vmem>>)
      tpu.yield
    }) : () -> ()
    %scan3A = arith.constant 0 : i32
    %scan3A_7 = arith.constant 0 : i32
    %scan3A_8 = arith.constant 32 : i32
    %scan3A_9 = arith.addi %scan3A_7, %scan3A_8 : i32
    %scan3A_10 = arith.constant 1 : i32
    scf.for %scan3A_12 = %scan3A_7 to %scan3A_9 step %scan3A_10  : i32 {
      %mul3A_13 = arith.constant 16 : i32
      %mul3A_14 = arith.muli %scan3A_12, %mul3A_13 : i32
      %get3A = arith.index_cast %mul3A_14 : i32 to index
      %get3A_15 = tpu.vector_load %arg7[%get3A] {strides = array<i32>} : memref<512xi32, #tpu.memory_space<vmem>>, vector<16xi32>,
      %gather3A = tpu.vector_load_idx %arg9[%get3A_15] : memref<8192xf32, #tpu.memory_space<vmem>>[vector<16xi32>], vector<16xf32>,
      %swap3A = arith.index_cast %mul3A_14 : i32 to index
      %swap3A_16 = tpu.vector_load %arg10[%swap3A] {strides = array<i32>} : memref<512xf32, #tpu.memory_space<vmem>>, vector<16xf32>,
      tpu.vector_store %arg10[%swap3A], %gather3A {strides = array<i32>} : memref<512xf32, #tpu.memory_space<vmem>>, vector<16xf32>,
    }
    %scan3A_11 = arith.constant 32 : i32
    "tpu.region"() ({
      %run_scoped3A = tpu.sem_alloc : memref<!tpu.dma_semaphore, #tpu.memory_space<semaphore_mem>>
      %dma_start3A_12 = tpu.memref_slice %arg6[%mul3A_2] : memref<16384xf32, #tpu.memory_space<hbm>> -> memref<512xf32, #tpu.memory_space<hbm>>
      %dma_start3A_13 = tpu.memref_slice %arg6[%mul3A_2] : memref<16384xf32, #tpu.memory_space<hbm>> -> memref<512xf32, #tpu.memory_space<hbm>>
      tpu.enqueue_dma source(%arg10 : memref<512xf32, #tpu.memory_space<vmem>>) target(%dma_start3A_13 : memref<512xf32, #tpu.memory_space<hbm>>) target_semaphore(%run_scoped3A : memref<!tpu.dma_semaphore, #tpu.memory_space<semaphore_mem>>)
      %dma_wait3A_14 = tpu.memref_slice %arg6[%mul3A_2] : memref<16384xf32, #tpu.memory_space<hbm>> -> memref<512xf32, #tpu.memory_space<hbm>>
      %dma_wait3A_15 = tpu.memref_slice %arg6[%mul3A_2] : memref<16384xf32, #tpu.memory_space<hbm>> -> memref<512xf32, #tpu.memory_space<hbm>>
      tpu.wait_dma2 semaphore(%run_scoped3A : memref<!tpu.dma_semaphore, #tpu.memory_space<semaphore_mem>>) src(%arg10 : memref<512xf32, #tpu.memory_space<vmem>>) dst(%dma_wait3A_15 : memref<512xf32, #tpu.memory_space<hbm>>)
      tpu.yield
    }) : () -> ()
    return
  }
}

module attributes {stable_mosaic.version = 14 : i64} {
  func.func @_argmin_body(%arg0: i32, %arg1: memref<512x16xf32, #tpu.memory_space<vmem>>, %arg2: memref<512x16xf32, #tpu.memory_space<vmem>>, %arg3: memref<8192x32xf32, #tpu.memory_space<vmem>>, %arg4: memref<1x32xf32, #tpu.memory_space<vmem>>, %arg5: memref<1x1xf32, #tpu.memory_space<vmem>>, %arg6: memref<512xi32, #tpu.memory_space<vmem>>, %arg7: memref<1x8192xf32, #tpu.memory_space<vmem>>, %arg8: memref<1x1xf32, #tpu.memory_space<vmem>>, %arg9: memref<8192x35xbf16, #tpu.memory_space<vmem>>) attributes {dimension_semantics = [#tpu.dimension_semantics<arbitrary>], iteration_bounds = array<i64: 32>, scalar_prefetch = 0 : i64, scratch_operands = 1 : i64, tpu.core_type = #tpu.core_type<tc>, window_params = [{transform_indices = @transform_0, window_bounds = array<i64: 512, 16>}, {transform_indices = @transform_1, window_bounds = array<i64: 512, 16>}, {pipeline_mode = #tpu.pipeline_mode<synchronous>, transform_indices = @transform_2, window_bounds = array<i64: 8192, 32>}, {pipeline_mode = #tpu.pipeline_mode<synchronous>, transform_indices = @transform_3, window_bounds = array<i64: 1, 32>}, {pipeline_mode = #tpu.pipeline_mode<synchronous>, transform_indices = @transform_4, window_bounds = array<i64: 1, 1>}, {transform_indices = @transform_5, window_bounds = array<i64: 512>}, {pipeline_mode = #tpu.pipeline_mode<synchronous>, transform_indices = @transform_6, window_bounds = array<i64: 1, 8192>}, {pipeline_mode = #tpu.pipeline_mode<synchronous>, transform_indices = @transform_7, window_bounds = array<i64: 1, 1>}]} {
    %eq3A = arith.constant 0 : i32
    %eq3A_0 = arith.cmpi eq, %arg0, %eq3A : i32
    %convert_element_type3A = arith.extui %eq3A_0 : i1 to i32
    %cond3A = arith.constant 0 : i32
    %cond3A_1 = arith.cmpi ne, %convert_element_type3A, %cond3A : i32
    scf.if %cond3A_1 {
      %get3A_44 = arith.constant 0 : index
      %get3A_45 = arith.constant 0 : index
      %get3A_46 = vector.load %arg3[%get3A_44, %get3A_45] : memref<8192x32xf32, #tpu.memory_space<vmem>>, vector<8192x32xf32>
      %mul3A_47 = arith.mulf %get3A_46, %get3A_46 : vector<8192x32xf32>
      %reduce_sum3A_48 = arith.constant dense<0.000000e+00> : vector<8192xf32>
      %reduce_sum3A_49 = vector.multi_reduction <add>, %mul3A_47, %reduce_sum3A_48 [1] : vector<8192x32xf32> to vector<8192xf32>
      %broadcast_in_dim3A_50 = vector.shape_cast %reduce_sum3A_49 : vector<8192xf32> to vector<8192x1xf32>
      %convert_element_type3A_51 = arith.truncf %broadcast_in_dim3A_50 : vector<8192x1xf32> to vector<8192x1xbf16>
      %convert_element_type3A_52 = arith.extf %convert_element_type3A_51 : vector<8192x1xbf16> to vector<8192x1xf32>
      %sub3A = arith.subf %broadcast_in_dim3A_50, %convert_element_type3A_52 : vector<8192x1xf32>
      %convert_element_type3A_53 = arith.truncf %sub3A : vector<8192x1xf32> to vector<8192x1xbf16>
      %convert_element_type3A_54 = arith.extf %convert_element_type3A_53 : vector<8192x1xbf16> to vector<8192x1xf32>
      %sub3A_55 = arith.subf %sub3A, %convert_element_type3A_54 : vector<8192x1xf32>
      %convert_element_type3A_56 = arith.truncf %sub3A_55 : vector<8192x1xf32> to vector<8192x1xbf16>
      %convert_element_type3A_57 = arith.truncf %get3A_46 : vector<8192x32xf32> to vector<8192x32xbf16>
      %concatenate3A_58 = tpu.concatenate %convert_element_type3A_57, %convert_element_type3A_51, %convert_element_type3A_53, %convert_element_type3A_56 in 1 : vector<8192x32xbf16>, vector<8192x1xbf16>, vector<8192x1xbf16>, vector<8192x1xbf16> -> vector<8192x35xbf16>
      %swap3A_59 = arith.constant 0 : index
      %swap3A_60 = arith.constant 0 : index
      %swap3A_61 = vector.load %arg9[%swap3A_59, %swap3A_60] : memref<8192x35xbf16, #tpu.memory_space<vmem>>, vector<8192x35xbf16>
      tpu.vector_store %arg9[%swap3A_59, %swap3A_60], %concatenate3A_58 {strides = array<i32>} : memref<8192x35xbf16, #tpu.memory_space<vmem>>, vector<8192x35xbf16>,
      %get3A_62 = arith.constant 0 : index
      %get3A_63 = arith.constant 0 : index
      %get3A_64 = vector.load %arg4[%get3A_62, %get3A_63] : memref<1x32xf32, #tpu.memory_space<vmem>>, vector<1x32xf32>
      %dot_general3A_65 = arith.constant dense<0.000000e+00> : vector<1x8192xf32>
      %dot_general3A_66 = tpu.matmul %get3A_64, %get3A_46, %dot_general3A_65 {dimension_numbers = #tpu.dot_dimension_numbers<[1], [1], [0], [0], [0, 0, 1, 0], [], []>, transpose_lhs_hint = false} : vector<1x32xf32>, vector<8192x32xf32>, vector<1x8192xf32> -> vector<1x8192xf32>
      %get3A_67 = arith.constant 0 : index
      %get3A_68 = arith.constant 0 : index
      %get3A_69 = vector.load %arg5[%get3A_67, %get3A_68] : memref<1x1xf32, #tpu.memory_space<vmem>>, vector<1x1xf32>
      %get3A_70 = vector.extract %get3A_69[0, 0] : f32 from vector<1x1xf32>
      %add3A_71 = vector.broadcast %get3A_70 : f32 to vector<1x8192xf32>
      %add3A_72 = arith.addf %dot_general3A_66, %add3A_71 : vector<1x8192xf32>
      %swap3A_73 = arith.constant 0 : index
      %swap3A_74 = arith.constant 0 : index
      %swap3A_75 = vector.load %arg7[%swap3A_73, %swap3A_74] : memref<1x8192xf32, #tpu.memory_space<vmem>>, vector<1x8192xf32>
      tpu.vector_store %arg7[%swap3A_73, %swap3A_74], %add3A_72 {strides = array<i32>} : memref<1x8192xf32, #tpu.memory_space<vmem>>, vector<1x8192xf32>,
    } else {
    }
    %get3A = arith.constant 0 : index
    %get3A_2 = arith.constant 0 : index
    %get3A_3 = vector.load %arg1[%get3A, %get3A_2] : memref<512x16xf32, #tpu.memory_space<vmem>>, vector<512x16xf32>
    %get3A_4 = arith.constant 0 : index
    %get3A_5 = arith.constant 0 : index
    %get3A_6 = vector.load %arg2[%get3A_4, %get3A_5] : memref<512x16xf32, #tpu.memory_space<vmem>>, vector<512x16xf32>
    %concatenate3A = tpu.concatenate %get3A_3, %get3A_6 in 1 : vector<512x16xf32>, vector<512x16xf32> -> vector<512x32xf32>
    %broadcast_in_dim3A = arith.constant 1.000000e+00 : bf16
    %broadcast_in_dim3A_7 = vector.broadcast %broadcast_in_dim3A : bf16 to vector<512x1xbf16>
    %mul3A = arith.constant -2.000000e+00 : f32
    %mul3A_8 = vector.broadcast %mul3A : f32 to vector<512x32xf32>
    %mul3A_9 = arith.mulf %mul3A_8, %concatenate3A : vector<512x32xf32>
    %convert_element_type3A_10 = arith.truncf %mul3A_9 : vector<512x32xf32> to vector<512x32xbf16>
    %concatenate3A_11 = tpu.concatenate %convert_element_type3A_10, %broadcast_in_dim3A_7, %broadcast_in_dim3A_7, %broadcast_in_dim3A_7 in 1 : vector<512x32xbf16>, vector<512x1xbf16>, vector<512x1xbf16>, vector<512x1xbf16> -> vector<512x35xbf16>
    %get3A_12 = arith.constant 0 : index
    %get3A_13 = arith.constant 0 : index
    %get3A_14 = vector.load %arg9[%get3A_12, %get3A_13] : memref<8192x35xbf16, #tpu.memory_space<vmem>>, vector<8192x35xbf16>
    %dot_general3A = arith.constant dense<0.000000e+00> : vector<512x8192xf32>
    %dot_general3A_15 = tpu.matmul %concatenate3A_11, %get3A_14, %dot_general3A {dimension_numbers = #tpu.dot_dimension_numbers<[1], [1], [0], [0], [0, 0, 1, 0], [], []>, transpose_lhs_hint = false} : vector<512x35xbf16>, vector<8192x35xbf16>, vector<512x8192xf32> -> vector<512x8192xf32>
    %argmin3A = tpu.reduce_index %dot_general3A_15 {axis = 1 : i32, kind = #tpu.reduction_kind<arg_min>} : vector<512x8192xf32> -> vector<512xi32>
    %swap3A = arith.constant 0 : index
    %swap3A_16 = vector.load %arg6[%swap3A] : memref<512xi32, #tpu.memory_space<vmem>>, vector<512xi32>
    tpu.vector_store %arg6[%swap3A], %argmin3A {strides = array<i32>} : memref<512xi32, #tpu.memory_space<vmem>>, vector<512xi32>,
    %reduce_min3A = arith.constant dense<0x7F800000> : vector<512xf32>
    %reduce_min3A_17 = vector.multi_reduction <minimumf>, %dot_general3A_15, %reduce_min3A [1] : vector<512x8192xf32> to vector<512xf32>
    %reduce_sum3A = vector.shape_cast %reduce_min3A_17 : vector<512xf32> to vector<1x512xf32>
    %reduce_sum3A_18 = arith.constant dense<0.000000e+00> : vector<1xf32>
    %reduce_sum3A_19 = vector.multi_reduction <add>, %reduce_sum3A, %reduce_sum3A_18 [1] : vector<1x512xf32> to vector<1xf32>
    %reduce_sum3A_20 = vector.shape_cast %reduce_sum3A_19 : vector<1xf32> to vector<1x1xf32>
    %reduce_sum3A_21 = vector.extract %reduce_sum3A_20[0, 0] : f32 from vector<1x1xf32>
    %broadcast_in_dim3A_22 = vector.broadcast %reduce_sum3A_21 : f32 to vector<1xf32>
    %reshape3A = vector.shape_cast %broadcast_in_dim3A_22 : vector<1xf32> to vector<1x1xf32>
    %mul3A_23 = arith.mulf %concatenate3A, %concatenate3A : vector<512x32xf32>
    %reduce_sum3A_24 = vector.shape_cast %mul3A_23 : vector<512x32xf32> to vector<1x512x32xf32>
    %reduce_sum3A_25 = arith.constant dense<0.000000e+00> : vector<1xf32>
    %reduce_sum3A_26 = vector.multi_reduction <add>, %reduce_sum3A_24, %reduce_sum3A_25 [1, 2] : vector<1x512x32xf32> to vector<1xf32>
    %reduce_sum3A_27 = vector.shape_cast %reduce_sum3A_26 : vector<1xf32> to vector<1x1x1xf32>
    %reduce_sum3A_28 = vector.extract %reduce_sum3A_27[0, 0, 0] : f32 from vector<1x1x1xf32>
    %broadcast_in_dim3A_29 = vector.broadcast %reduce_sum3A_28 : f32 to vector<1x1xf32>
    %add3A = arith.addf %reshape3A, %broadcast_in_dim3A_29 : vector<1x1xf32>
    %eq3A_30 = arith.constant 0 : i32
    %eq3A_31 = arith.cmpi eq, %arg0, %eq3A_30 : i32
    %convert_element_type3A_32 = arith.extui %eq3A_31 : i1 to i32
    %cond3A_33 = arith.constant 0 : i32
    %cond3A_34 = arith.cmpi ne, %convert_element_type3A_32, %cond3A_33 : i32
    scf.if %cond3A_34 {
      %swap3A_44 = arith.constant 0 : index
      %swap3A_45 = arith.constant 0 : index
      %swap3A_46 = vector.load %arg8[%swap3A_44, %swap3A_45] : memref<1x1xf32, #tpu.memory_space<vmem>>, vector<1x1xf32>
      tpu.vector_store %arg8[%swap3A_44, %swap3A_45], %add3A {strides = array<i32>} : memref<1x1xf32, #tpu.memory_space<vmem>>, vector<1x1xf32>,
    } else {
    }
    %gt3A = arith.constant 0 : i32
    %gt3A_35 = arith.cmpi sgt, %arg0, %gt3A : i32
    %convert_element_type3A_36 = arith.extui %gt3A_35 : i1 to i32
    %cond3A_37 = arith.constant 0 : i32
    %cond3A_38 = arith.cmpi ne, %convert_element_type3A_36, %cond3A_37 : i32
    scf.if %cond3A_38 {
      %get3A_44 = arith.constant 0 : index
      %get3A_45 = arith.constant 0 : index
      %get3A_46 = vector.load %arg8[%get3A_44, %get3A_45] : memref<1x1xf32, #tpu.memory_space<vmem>>, vector<1x1xf32>
      %add3A_47 = arith.addf %get3A_46, %add3A : vector<1x1xf32>
      %swap3A_48 = arith.constant 0 : index
      %swap3A_49 = arith.constant 0 : index
      %swap3A_50 = vector.load %arg8[%swap3A_48, %swap3A_49] : memref<1x1xf32, #tpu.memory_space<vmem>>, vector<1x1xf32>
      tpu.vector_store %arg8[%swap3A_48, %swap3A_49], %add3A_47 {strides = array<i32>} : memref<1x1xf32, #tpu.memory_space<vmem>>, vector<1x1xf32>,
    } else {
    }
    %eq3A_39 = arith.constant 31 : i32
    %eq3A_40 = arith.cmpi eq, %arg0, %eq3A_39 : i32
    %convert_element_type3A_41 = arith.extui %eq3A_40 : i1 to i32
    %cond3A_42 = arith.constant 0 : i32
    %cond3A_43 = arith.cmpi ne, %convert_element_type3A_41, %cond3A_42 : i32
    scf.if %cond3A_43 {
      %get3A_44 = arith.constant 0 : index
      %get3A_45 = arith.constant 0 : index
      %get3A_46 = vector.load %arg8[%get3A_44, %get3A_45] : memref<1x1xf32, #tpu.memory_space<vmem>>, vector<1x1xf32>
      %mul3A_47 = arith.constant 2.38418579E-6 : f32
      %mul3A_48 = vector.broadcast %mul3A_47 : f32 to vector<1x1xf32>
      %mul3A_49 = arith.mulf %get3A_46, %mul3A_48 : vector<1x1xf32>
      %swap3A_50 = arith.constant 0 : index
      %swap3A_51 = arith.constant 0 : index
      %swap3A_52 = vector.load %arg8[%swap3A_50, %swap3A_51] : memref<1x1xf32, #tpu.memory_space<vmem>>, vector<1x1xf32>
      tpu.vector_store %arg8[%swap3A_50, %swap3A_51], %mul3A_49 {strides = array<i32>} : memref<1x1xf32, #tpu.memory_space<vmem>>, vector<1x1xf32>,
    } else {
    }
    return
  }
  func.func @transform_0(%arg0: i32) -> (i32, i32) {
    %c0_i32 = arith.constant 0 : i32
    %c0_i32_0 = arith.constant 0 : i32
    return %arg0, %c0_i32 : i32, i32
  }
  func.func @transform_1(%arg0: i32) -> (i32, i32) {
    %c0_i32 = arith.constant 0 : i32
    %c0_i32_0 = arith.constant 0 : i32
    return %arg0, %c0_i32 : i32, i32
  }
  func.func @transform_2(%arg0: i32) -> (i32, i32) {
    %c0_i32 = arith.constant 0 : i32
    %c0_i32_0 = arith.constant 0 : i32
    %c0_i32_1 = arith.constant 0 : i32
    return %c0_i32, %c0_i32_0 : i32, i32
  }
  func.func @transform_3(%arg0: i32) -> (i32, i32) {
    %c0_i32 = arith.constant 0 : i32
    %c0_i32_0 = arith.constant 0 : i32
    %c0_i32_1 = arith.constant 0 : i32
    return %c0_i32, %c0_i32_0 : i32, i32
  }
  func.func @transform_4(%arg0: i32) -> (i32, i32) {
    %c0_i32 = arith.constant 0 : i32
    %c0_i32_0 = arith.constant 0 : i32
    %c0_i32_1 = arith.constant 0 : i32
    return %c0_i32, %c0_i32_0 : i32, i32
  }
  func.func @transform_5(%arg0: i32) -> i32 {
    %c0_i32 = arith.constant 0 : i32
    return %arg0 : i32
  }
  func.func @transform_6(%arg0: i32) -> (i32, i32) {
    %c0_i32 = arith.constant 0 : i32
    %c0_i32_0 = arith.constant 0 : i32
    %c0_i32_1 = arith.constant 0 : i32
    return %c0_i32, %c0_i32_0 : i32, i32
  }
  func.func @transform_7(%arg0: i32) -> (i32, i32) {
    %c0_i32 = arith.constant 0 : i32
    %c0_i32_0 = arith.constant 0 : i32
    %c0_i32_1 = arith.constant 0 : i32
    return %c0_i32, %c0_i32_0 : i32, i32
  }
}

</mosaic_0001>

<sc_bundles>
// kernel: kernel.4.cloned.1.call-start
scs
__scs_entry_jumppad:
0x0: {  	(pc) =	sbr.rel $0x88, $3  }
0x1: {  	(tag) =	ssettag $0x0;
	lr =	simm.s32 $0x1  }
0x2: {  	[smem:$0x3F9C] =	sst lr;
	_ =	strace $0xD0000000  }
0x3: {  	_ = 	snop  }
0x4: {  	_ = 	snop  }
0x5: {  	_ = 	snop  }
0x6: {  	_ = 	snop  }
0x7: {  	_ = 	snop  }
__scs_overlays_trampoline_lowered:
0x8: {  	[smem:$0x3FAB] =	sst s0  }
0x9: {  	[smem:$0x3FAC] =	sst s1  }
0xa: {  	[smem:$0x3FAD] =	sst s2  }
0xb: {  	[smem:$0x3FAE] =	sst s3  }
0xc: {  	[smem:$0x3FAF] =	sst s4  }
0xd: {  	[smem:$0x3FB0] =	sst s5  }
0xe: {  	[smem:$0x3FB1] =	sst s6  }
0xf: {  	[smem:$0x3FB2] =	sst s7  }
0x10: {  	[smem:$0x3FB3] =	sst s8  }
0x11: {  	[smem:$0x3FB4] =	sst s9;
	s0 =	simm.s32 @!p0 $0x0  }
0x12: {  	s1 =	sld [smem:$0x3F9A];
	s0 =	simm.s32 @p0 $0x1  }
0x13: {  	[smem:$0x3FB5] =	sst s0;
	s0 =	simm.s32 @!p1 $0x0  }
0x14: {  	s2 =	sld [smem:$0x3F99];
	s0 =	simm.s32 @p1 $0x1  }
0x15: {  	[smem:$0x3FB6] =	sst s0;
	s0 =	simm.s32 @!p2 $0x0  }
0x16: {  	s3 =	sld [smem:$0x3FDB];
	s0 =	simm.s32 @p2 $0x1  }
0x17: {  	s4 =	simm.s32 $0x1BF5;
	[smem:$0x3FB8] =	sst s0  }
0x18: {  	s0 =	sld [smem:$0x3F9B];
	_ =	swait.ge [sflag:s4], $0x0  }
0x19: {  	s7 =	sld [smem:$0x3F9C]  }
0x1a: {  	s8 =	sadd.s32 $0xFFFFE003, lr  }
0x1b: {  	s9 =	sadd.s32 $0xFFFFFEF7, lr;
	s5 =	simm.s32 $0xFFFFFFFF;
	p2 =	slt.u32 s8, $0xFFFFF086  }
0x1c: {  	p1 =	slt.u32 s9, $0xF7A;
	s5 =	simm.s32 @!p2 $0x0  }
0x1d: {  	s5 =	simm.s32 @p1 $0x1;
	p0 =	seq.s32 s7, s2  }
0x1e: {  	s7 =	smul.u32 @!p0 $0xF7A, s2;
	p2 =	seq.s32 @!p0 s5, $0x0  }
0x1f: {  	s9 =	smul.u32 $0xF7A, s1;
	s8 =	simm.s32 @!p0 $0x1BF5;
	p2 =	por !p2, p0  }
0x20: {  	[sflag:s8] =	ssyncset.s32 @!p0 $0xFFFFF086;
	s6 =	sadd.s32 @!p0 s3, s7;
	s7 =	simm.s32 @!p0 $0x108  }
0x21: {  	s3 =	sadd.s32 s3, s9;
	s6 =	sadd.s32 @!p0 $0x88, s6;
	s7 =	simm.s32 @p2 $0x1082  }
0x22: {  	[simem:s7], [sflag:s8] =	dma.local @!p0 [hbm:s6], $0xF7A  }
0x23: {  	s9 =	sor.u32 $0xD0000000, s2;
	s6 =	simm.s32 $0x108;
	_ =	swait.ge @!p0 [sflag:s8], $0x0  }
0x24: {  	s3 =	sadd.s32 $0x88, s3;
	s6 =	simm.s32 @!p1 $0x1082;
	[sflag:s4] =	ssyncset.s32 $0xFFFFF086  }
0x25: {  	[simem:s6], [sflag:s4] =	dma.local [hbm:s3], $0xF7A  }
0x26: {  	[smem:$0x3F9C] =	sst s1;
	(tag) =	ssettag s2;
	_ =	strace s9  }
0x27: {  	s1 =	sld [smem:$0x3FAC]  }
0x28: {  	s2 =	sld [smem:$0x3FAD]  }
0x29: {  	s4 =	sld [smem:$0x3FAF]  }
0x2a: {  	p0 =	seq.s32 s5, $0x0;
	s5 =	sld [smem:$0x3FB0]  }
0x2b: {  	s6 =	sld [smem:$0x3FB1]  }
0x2c: {  	s7 =	sld [smem:$0x3FB2]  }
0x2d: {  	s3 =	simm.s32 $0x108;
	s8 =	sld [smem:$0x3FB3]  }
0x2e: {  	s3 =	simm.s32 @!p0 $0x1082;
	s9 =	sld [smem:$0x3FB4]  }
0x2f: {  	lr =	sadd.s32 s0, s3;
	s0 =	sld [smem:$0x3FAB]  }
0x30: {  	s3 =	sld [smem:$0x3FAE]  }
0x31: {  	[smem:$0x3FB7] =	sst s10  }
0x32: {  	s10 =	sld [smem:$0x3FB5];
	_ =	sdelay $0x3  }
0x33: {  	p0 =	seq.s32 s10, $0x1;
	s10 =	sld [smem:$0x3FB7];
	_ =	sdelay $0x3  }
0x34: {  	[smem:$0x3FB7] =	sst s10  }
0x35: {  	s10 =	sld [smem:$0x3FB6];
	_ =	sdelay $0x3  }
0x36: {  	p1 =	seq.s32 s10, $0x1;
	s10 =	sld [smem:$0x3FB7];
	_ =	sdelay $0x3  }
0x37: {  	[smem:$0x3FB7] =	sst s10  }
0x38: {  	s10 =	sld [smem:$0x3FB8]  }
0x39: {  	_ = 	snop;
	(pc) =	sbr.ind lr, $3  }
0x3a: {  	_ = 	snop  }
0x3b: {  	_ = 	snop  }
0x3c: {  	p2 =	seq.s32 s10, $0x1;
	s10 =	sld [smem:$0x3FB7]  }
0x3d: {  	_ =	shalt  }
0x3e: {  	_ =	shalt  }
0x3f: {  	_ =	shalt  }
0x40: {  	_ =	shalt  }
0x41: {  	_ =	shalt  }
0x42: {  	_ =	shalt  }
0x43: {  	_ =	shalt  }
0x44: {  	_ =	shalt  }
0x45: {  	_ =	shalt  }
0x46: {  	_ =	shalt  }
0x47: {  	_ =	shalt  }
0x48: {  	_ =	shalt  }
0x49: {  	_ =	shalt  }
0x4a: {  	_ =	shalt  }
0x4b: {  	_ =	shalt  }
0x4c: {  	_ =	shalt  }
0x4d: {  	_ =	shalt  }
0x4e: {  	_ =	shalt  }
0x4f: {  	_ =	shalt  }
0x50: {  	_ =	shalt  }
0x51: {  	_ =	shalt  }
0x52: {  	_ =	shalt  }
0x53: {  	_ =	shalt  }
0x54: {  	_ =	shalt  }
0x55: {  	_ =	shalt  }
0x56: {  	_ =	shalt  }
0x57: {  	_ =	shalt  }
0x58: {  	_ =	shalt  }
0x59: {  	_ =	shalt  }
0x5a: {  	_ =	shalt  }
0x5b: {  	_ =	shalt  }
0x5c: {  	_ =	shalt  }
0x5d: {  	_ =	shalt  }
0x5e: {  	_ =	shalt  }
0x5f: {  	_ =	shalt  }
0x60: {  	_ =	shalt  }
0x61: {  	_ =	shalt  }
0x62: {  	_ =	shalt  }
0x63: {  	_ =	shalt  }
0x64: {  	_ =	shalt  }
0x65: {  	_ =	shalt  }
0x66: {  	_ =	shalt  }
0x67: {  	_ =	shalt  }
0x68: {  	_ =	shalt  }
0x69: {  	_ =	shalt  }
0x6a: {  	_ =	shalt  }
0x6b: {  	_ =	shalt  }
0x6c: {  	_ =	shalt  }
0x6d: {  	_ =	shalt  }
0x6e: {  	_ =	shalt  }
0x6f: {  	_ =	shalt  }
0x70: {  	_ =	shalt  }
0x71: {  	_ =	shalt  }
0x72: {  	_ =	shalt  }
0x73: {  	_ =	shalt  }
0x74: {  	_ =	shalt  }
0x75: {  	_ =	shalt  }
0x76: {  	_ =	shalt  }
0x77: {  	_ =	shalt  }
0x78: {  	_ =	shalt  }
0x79: {  	_ =	shalt  }
0x7a: {  	_ =	shalt  }
0x7b: {  	_ =	shalt  }
0x7c: {  	_ =	shalt  }
0x7d: {  	_ =	shalt  }
0x7e: {  	_ =	shalt  }
0x7f: {  	_ =	shalt  }
0x80: {  	_ =	shalt  }
0x81: {  	_ =	shalt  }
0x82: {  	_ =	shalt  }
0x83: {  	_ =	shalt  }
0x84: {  	_ =	shalt  }
0x85: {  	_ =	shalt  }
0x86: {  	_ =	shalt  }
0x87: {  	_ =	shalt  }
.Lfunc_end0:
.L_simem_size_0:
called_computation_lowered:
.L_overlay_start_0:
0x88: {  	s2 =	sld [smem:$0x3FD9]  }
0x89: {  	s3 =	sld [smem:$0x3FFE];
	_ =	sdelay $0x1  }
0x8a: {  	s1 =	srdreg.scid  }
0x8b: {  	s0 =	sand.u32 $0x1, s1  }
0x8c: {  	s14 =	sshll.u32 s0, $0xA;
	s2 =	sadd.s32 s3, s2  }
0x8d: {  	s2 =	sadd.s32 s2, s14  }
0x8e: {  	[smem:$0x3FC3] =	sst s2  }
0x8f: {  	_ = 	snop  }
0x90: {  	s2 =	sld [smem:$0x3FD0];
	_ =	sdelay $0x2  }
0x91: {  	s15 =	simm.s32 $0xA;
	s4 =	simm.s32 $0x10  }
0x92: {  	[smem:s4], [sflag:s15] =	dma.local [hbm:s2], $0x1  }
0x93: {  	_ =	swait.eq [sflag:s15], $0x1  }
0x94: {  	[sflag:s15] =	ssyncset.done $0x0  }
0x95: {  	s16 =	sld [smem:$0x10];
	[sflag:s15] =	ssyncadd.s32 $0xFFFFFFFF  }
0x96: {  	s17 =	sld [smem:$0x11];
	(tm) =	ssettm $0x1  }
0x97: {  	s18 =	sld [smem:$0x3FFB];
	_ =	sdelay $0x3  }
0x98: {  	_ =	strace s18  }
0x99: {  	s4 =	sld [smem:$0x3FFC];
	_ =	sdelay $0x3  }
0x9a: {  	_ =	strace s4  }
0x9b: {  	s4 =	sld [smem:$0x3FFD];
	_ =	sdelay $0x3  }
0x9c: {  	_ =	strace s4  }
0x9d: {  	_ =	strace $0x8FFFFFFF  }
0x9e: {  	s19 =	sld [smem:$0x3FDB];
	_ =	sdelay $0x1  }
0x9f: {  	s5 =	simm.s32 $_scs_section_size  }
0xa0: {  	s6 =	simm.s32 $_size__tile_overlayer_lowered;
	s7 =	simm.s32 $_tile_overlayer_lowered  }
0xa1: {  	s22 =	simm.s32 $0x1BFF;
	s21 =	sshll.u32 s7, $0x1;
	s4 =	sadd.s32 s5, s19  }
0xa2: {  	s8 =	simm.s32 $0x0;
	s20 =	sshll.u32 s6, $0x1;
	s6 =	sadd.s32 s21, s4  }
0xa3: {  	[timem:s8], [sflag:s22] =	dma.local [hbm:s6], s20  }
0xa4: {  	_ =	swait.ge [sflag:s22], s20  }
0xa5: {  	s5 =	ssub.s32 $0x0, s20;
	[sflag:s22] =	ssyncset.done $0x0  }
0xa6: {  	[sflag:s22] =	ssyncadd.s32 s5;
	_ =	sdelay $0x1  }
0xa7: {  	s23 =	simm.s32 $0x1B8B  }
0xa8: {  	_ =	swait.ge [sflag:s23], $0x1  }
0xa9: {  	[sflag:s23] =	ssyncset.done $0x0  }
0xaa: {  	s25 =	simm.s32 $0x1B8E;
	s24 =	sld [smem:$0x3FFE];
	[sflag:s23] =	ssyncadd.s32 $0xFFFFFFFF  }
0xab: {  	s26 =	simm.s32 $execute0_lowered;
	[smem:$0x3FD2] =	sst s25  }
0xac: {  	s6 =	sshll.u32 s26, $0x1;
	_ =	strace $0x80000046;
	[dreg:$0x1] =	wrdreg $0xFFFFFFFF  }
0xad: {  	s28 =	simm.s32 $_size_execute0_lowered;
	s4 =	sadd.s32 s4, s6;
	[dreg:$0x0] =	wrdreg $0x0  }
0xae: {  	s6 =	sshll.u32 s28, $0x1;
	[dreg:$0x2] =	wrdreg s4  }
0xaf: {  	[dreg:$0x3] =	wrdreg s6  }
0xb0: {  	[dreg:$0x4] =	wrdreg $0xC0  }
0xb1: {  	_ =	task [dreg:s8], $0x5FFFF  }
0xb2: {  	[dreg:$0x1] =	wrdreg $0xFFFFFFFF  }
0xb3: {  	[dreg:$0x0] =	wrdreg $0x60  }
0xb4: {  	[dreg:$0x2] =	wrdreg s24  }
0xb5: {  	[dreg:$0x3] =	wrdreg s16  }
0xb6: {  	[dreg:$0x4] =	wrdreg s17  }
0xb7: {  	[dreg:$0x5] =	wrdreg $0x9  }
0xb8: {  	_ =	task.clear_ibuf [dreg:s8], $0x6FFFF;
	_ =	strace $0x90000046  }
0xb9: {  	s29 =	simm.s32 $0x9;
	_ =	strace $0x80000048  }
0xba: {  	_ =	swait.ge [sflag:s29], $0x1  }
0xbb: {  	[sflag:s29] =	ssyncadd.s32 $0xFFFFFFFF  }
0xbc: {  	_ =	strace $0x90000048  }
0xbd: {  	_ =	sfence  }
0xbe: {  	s30 =	sld [smem:$0x0];
	_ =	sdelay $0x2  }
0xbf: {  	s31 =	sshll.u32 s1, $0xD;
	s1 =	sshrl.u32 s1, $0x2  }
0xc0: {  	s3 =	sand.u32 $0x4000, s31;
	s1 =	sadd.s32 s1, s30  }
0xc1: {  	s0 =	sor.u32 s3, s0;
	s1 =	sshll.u32 s1, $0x11  }
0xc2: {  	s0 =	sor.u32 s1, s0  }
0xc3: {  	s0 =	sadd.s32 $0x8F2B, s0  }
0xc4: {  	[sflag:s0] =	ssyncadd.remote.s32 $0x1  }
0xc5: {  	_ =	sfence.sel $0xFFFF  }
0xc6: {  	[dreg:$0x0] =	wrdreg $0xFFFFFFFF;
	(pc) =	sbr.abs _section_cstart, $3  }
0xc7: {  	[dreg:$0x1] =	wrdreg $0xFFFFFFFF  }
0xc8: {  	_ =	task.clear_ibuf [dreg:s8], $0x2FFFF;
	_ =	strace $0x9FFFFFFF  }
0xc9: {  	(tm) =	ssettm $0x7FFFFFFF  }
tec
execute0_lowered:
.L_overlay_start_1:
0x0: {  	(tag) =	ssettag $0x1  }
0x1: {  	s4 =	rddreg [dreg:$0x0]  }
0x2: {  	s6 =	rddreg [dreg:$0x1]  }
0x3: {  	s7 =	rddreg [dreg:$0x2]  }
0x4: {  	s0 =	rddreg [dreg:$0x3]  }
0x5: {  	s3 =	srdreg.scid;
	s2 =	simm.s32 $0x0;
	s1 =	stileid.u32  }
0x6: {  	s12 =	simm.s32 $0x4200;
	s13 =	simm.s32 $0x6200;
	s14 =	simm.s32 $0x0  }
0x7: {  	s5 =	sand.u32 $0x1, s3;
	[smem:$0x7FF] =	sst s2;
	s31 =	sshll.u32 s1, $0xA  }
0x8: {  	s3 =	sadd.s32 $0x1600, s4;
	s8 =	sshll.u32 s5, $0x9;
	s5 =	ssub.s32 $0x2, s5  }
0x9: {  	_ =	strace $0x80000047;
	s8 =	sor.u32 s8, s31;
	s11 =	sshrl.u32 s5, $0x1  }
0xa: {  	s9 =	sshrl.u32 s8, $0x3;
	s11 =	ssub.s32 s5, s11;
	s8 =	sshll.u32 s8, $0x2  }
0xb: {  	s10 =	sadd.s32 s9, s4;
	s4 =	sadd.s32 $0x9E00, s4;
	s6 =	sadd.s32 s6, s8  }
0xc: {  	s7 =	sadd.s32 s7, s9;
	s8 =	smax.u32 s11, $0x1;
	s9 =	simm.s32 $0x2  }
0xd: {  	s11 =	simm.s32 $0x1;
	s5 =	sadd.s32 $0x9600, s10;
	s10 =	simm.s32 $0x200  }
.LBB2_1:
0xe: {  	[tilespmem:s2], [sflag:$0x2] =	stream.linear.gather [hbm4b:s5+s2], $0x200, $0x38;
	[tilespmem:$0x6400] =	vst v63  }
0xf: {  	_ =	swait.ge [sflag:s9], $0x200  }
0x10: {  	[sflag:s9] =	ssyncset.done $0x0  }
0x11: {  	[sflag:s9] =	ssyncadd.s32 $0xFFFFFE00  }
0x12: {  	[tilespmem:s10], [sflag:$0x1] =	stream.indirect.gather [hbm4b:s3+s10], $0x20, s2, s10, $0xb8;
	[tilespmem:$0x6400] =	vst v63  }
0x13: {  	_ =	swait.ge [sflag:s11], $0x4000  }
0x14: {  	[sflag:s11] =	ssyncset.done $0x0  }
0x15: {  	[sflag:s11] =	ssyncadd.s32 $0xFFFFC000  }
0x16: {  	[hbm4b:s6+s2] =	stream.linear.scatter [tilespmem:s10], [sflag:$0x2], $0x4000, $0x38;
	[tilespmem:$0x6400] =	vst v63  }
0x17: {  	_ =	swait.ge [sflag:s9], $0x4000  }
0x18: {  	[sflag:s9] =	ssyncset.done $0x0  }
0x19: {  	[sflag:s9] =	ssyncadd.s32 $0xFFFFC000  }
0x1a: {  	[tilespmem:s12], [sflag:$0x2] =	stream.linear.gather [hbm4b:s4+s2], $0x2000, $0x38;
	[tilespmem:$0x6400] =	vst v63  }
0x1b: {  	_ =	swait.ge [sflag:s9], $0x2000  }
0x1c: {  	[sflag:s9] =	ssyncset.done $0x0  }
0x1d: {  	s15 =	simm.s32 $0x0;
	[sflag:s9] =	ssyncadd.s32 $0xFFFFE000  }
0x1e: {  	v0 =	vld [tilespmem:s15+$0x0];
	_ =	sdelay $0x7  }
0x1f: {  	s16 =	simm.s32 $0x10;
	s17 =	simm.s32 $0x80;
	v0 =	vld.idx.msk [tilespmem:v0+s12+$0x0], $0xffff  }
.LBB2_2:
0x20: {  	p0 =	sne.s32 s17, $0x7C0;
	v1 =	vld [tilespmem:s16+$0x0];
	_ =	sdelay $0x3  }
.Ltmp0:
0x21: {  	(pc) =	sbr.rel @p0 .LBB2_2-.Ltmp0, $2  }
0x22: {  	[tilespmem:s15+$0x6200] =	vst v0;
	s15 =	smov.u32 s16;
	_ =	sdelay $0x2  }
0x23: {  	s16 =	sshra.s32 s17, $0x2;
	s17 =	sadd.s32 $0x40, s17;
	v0 =	vld.idx.msk [tilespmem:v1+s12+$0x0], $0xffff  }
0x24: {  	v1 =	vld [tilespmem:s16+$0x0];
	_ =	sdelay $0x6  }
0x25: {  	[tilespmem:s15+$0x6200] =	vst v0  }
0x26: {  	v0 =	vld.idx.msk [tilespmem:v1+s12+$0x0], $0xffff;
	_ =	sdelay $0x2  }
0x27: {  	s14 =	sadd.s32 $0x1, s14  }
0x28: {  	p0 =	sne.s32 s14, s8  }
.Ltmp1:
0x29: {  	[tilespmem:s16+$0x6200] =	vst v0;
	(pc) =	sbr.rel @p0 .LBB2_1-.Ltmp1, $4  }
0x2a: {  	[hbm4b:s7+s2] =	stream.linear.scatter [tilespmem:s13], [sflag:$0x2], $0x200, $0x38;
	[tilespmem:$0x6400] =	vst v63  }
0x2b: {  	_ =	swait.ge [sflag:s9], $0x200  }
0x2c: {  	[sflag:s9] =	ssyncset.done $0x0  }
0x2d: {  	[sflag:s9] =	ssyncadd.s32 $0xFFFFFE00  }
0x2e: {  	_ =	sfence.sel $0x180000  }
0x2f: {  	[bflag:$0x0] =	sbarrier.arrive $0xFFFF  }
0x30: {  	p0 =	sne.s32 s1, $0x0;
	_ =	strace $0x90000047  }
0x31: {  	s0 =	sadd.s32 @!p0 $0x100000, s0;
	[bflag:$0x2] =	sbarrier.arrive $0xFFFF  }
0x32: {  	[sflag:s0] =	ssyncadd.tile.s32 @!p0 $0x1;
	_ =	shalt  }
.Lfunc_end2:
_tile_overlayer_lowered:
.L_overlay_start_2:
0x33: {  	(tag) =	ssettag $0x2  }
0x34: {  	s0 =	rddreg [dreg:$0x0];
	s2 =	stileid.u32  }
0x35: {  	s1 =	rddreg [dreg:$0x1];
	p0 =	sne.s32 s2, $0x0  }
0x36: {  	s3 =	rddreg [dreg:$0x2];
	[bflag:$0x3] =	sbarrier.arrive $0xFFFF;
	s2 =	simm.s32 @!p0 $0x1C02  }
0x37: {  	[timem:s3], [sflag:s2] =	dma.local @!p0 [hbm:s0], s1  }
0x38: {  	s0 =	simm.s32 @!p0 $0x2  }
0x39: {  	_ =	swait.ge @!p0 [sflag:s0], s1  }
0x3a: {  	s1 =	ssub.s32 @!p0 $0x0, s1;
	[sflag:s0] =	ssyncset.done @!p0 $0x0  }
0x3b: {  	[sflag:s0] =	ssyncadd.s32 @!p0 s1  }
0x3c: {  	[bflag:$0x3] =	sbarrier.arrive $0xFFFF  }
0x3d: {  	_ =	shalt  }

</sc_bundles>
